<compile_context>
chip_gen: v7x
topology: tpu7x:2x2x1
jax: 0.10.2.dev20260603
libtpu: 0.0.44.dev20260713+nightly
codegen_flags: <defaults>
</compile_context>

<pallas_src>
import functools

import jax
import jax.numpy as jnp
from jax import lax
from jax.experimental import pallas as pl
from jax.experimental.pallas import tpu as pltpu
from jax.experimental.pallas import tpu_sc as plsc

VOCAB = 100000
CTX = 512
D = 8

_NC, _NS = 2, 16
_NW = _NC * _NS
_TOK_PER_W = CTX // _NW

VC = 4096
_STRIDE = 102400


def _tc_detile(table_t):

    def body(t_ref, o_ref):
        for dd in range(D):
            o_ref[pl.ds(dd * _STRIDE, VOCAB)] = t_ref[dd]

    return pl.pallas_call(
        body,
        in_specs=[pl.BlockSpec((D, VOCAB), lambda: (0, 0))],
        out_specs=pl.BlockSpec((D * _STRIDE,), lambda: (0,)),
        out_shape=jax.ShapeDtypeStruct((D * _STRIDE,), jnp.float32),
    )(table_t)


def _sc_embed_t(flat_t, x):
    mesh = plsc.VectorSubcoreMesh(core_axis_name="c", subcore_axis_name="s")

    @functools.partial(
        pl.kernel,
        mesh=mesh,
        out_type=jax.ShapeDtypeStruct((D + 1, CTX), jnp.float32),
        scratch_types=[
            pltpu.VMEM((_TOK_PER_W,), jnp.int32),
            pltpu.VMEM((D * _TOK_PER_W,), jnp.int32),
            pltpu.VMEM((D * _TOK_PER_W,), jnp.float32),
            pltpu.VMEM((_TOK_PER_W,), jnp.float32),
            pltpu.SemaphoreType.DMA,
        ],
        compiler_params=pltpu.CompilerParams(
            use_tc_tiling_on_sc=False, needs_layout_passes=False
        ),
    )
    def k(flat_hbm, idx_hbm, gt_hbm, idx_v, iall_v, g_v, ones_v, sem):
        wid = lax.axis_index("s") * _NC + lax.axis_index("c")
        tbase = wid * _TOK_PER_W
        pltpu.sync_copy(idx_hbm.at[pl.ds(tbase, _TOK_PER_W)], idx_v)
        xv = idx_v[...]
        for dd in range(D):
            iall_v[pl.ds(dd * _TOK_PER_W, _TOK_PER_W)] = xv + dd * _STRIDE
        pltpu.async_copy(flat_hbm.at[iall_v], g_v, sem).wait()
        ones_v[...] = jnp.full((_TOK_PER_W,), 1.0, jnp.float32)
        for dd in range(D):
            pltpu.sync_copy(
                g_v.at[pl.ds(dd * _TOK_PER_W, _TOK_PER_W)],
                gt_hbm.at[dd, pl.ds(tbase, _TOK_PER_W)],
            )
        pltpu.sync_copy(ones_v, gt_hbm.at[D, pl.ds(tbase, _TOK_PER_W)])

    return k(flat_t, x)


def _tc_unembed_t(wt, b, gt, post):

    def body(wt_ref, b_ref, gt_ref, pt_ref, o_ref):
        lhs = jnp.concatenate([wt_ref[...], b_ref[...][None, :]], axis=0)
        pos9 = jnp.concatenate(
            [pt_ref[...], jnp.zeros((1, CTX), jnp.float32)], axis=0
        )
        rhs = gt_ref[...] + pos9
        o_ref[...] = lax.dot_general(
            lhs,
            rhs,
            dimension_numbers=(((0,), (0,)), ((), ())),
            preferred_element_type=jnp.float32,
        )

    return pl.pallas_call(
        body,
        grid=(pl.cdiv(VOCAB, VC),),
        in_specs=[
            pl.BlockSpec((D, VC), lambda i: (0, i)),
            pl.BlockSpec((VC,), lambda i: (i,)),
            pl.BlockSpec((D + 1, CTX), lambda i: (0, 0)),
            pl.BlockSpec((D, CTX), lambda i: (0, 0)),
        ],
        out_specs=pl.BlockSpec((VC, CTX), lambda i: (i, 0)),
        out_shape=jax.ShapeDtypeStruct((VOCAB, CTX), jnp.float32),
    )(wt, b, gt, post)


def kernel(x, info_embedding, position_embedding, W, b):
    flat_t = _tc_detile(info_embedding.T)
    gt = _sc_embed_t(flat_t, x)
    out_t = _tc_unembed_t(W.T, b, gt, position_embedding.T)
    return out_t.T

# --- scband reference (transcript-rebuilt; emitter-appended) ---
"""Pipeline reference for scband-model-26852135535056 (READ-ONLY COPY).

The authoritative reference and input builder live on the scoring server;
editing this copy changes nothing except your own understanding.
"""

import jax, jax.numpy as jnp
import numpy as np

VOCAB = 100000
CTX = 512
D = 8


def setup_inputs(seed: int = 0) -> dict:
    key = jax.random.key(seed)
    k1, k2, k3, k4, k5 = jax.random.split(key, 5)
    x = jax.random.randint(k1, (CTX,), 0, VOCAB, dtype=jnp.int32)
    info_embedding = jax.random.normal(k2, (VOCAB, D), dtype=jnp.float32)
    position_embedding = jax.random.normal(k3, (CTX, D), dtype=jnp.float32)
    # nn.Linear(D, VOCAB): weight [VOCAB, D], bias [VOCAB]
    bound = 1.0 / np.sqrt(D)
    W = jax.random.uniform(k4, (VOCAB, D), dtype=jnp.float32, minval=-bound, maxval=bound)
    b = jax.random.uniform(k5, (VOCAB,), dtype=jnp.float32, minval=-bound, maxval=bound)
    return {"x": x, "info_embedding": info_embedding, "position_embedding": position_embedding, "W": W, "b": b}


def reference(x, info_embedding, position_embedding, W, b):
    num_toks = x.shape[0]
    ctx = CTX
    # x[-context_window_len:num_toks]
    tok_slice = x[-ctx:num_toks]
    embedding = jnp.take(info_embedding, tok_slice, axis=0)
    pos_ids = jnp.arange(min(num_toks, ctx))
    position_embeddings = jnp.take(position_embedding, pos_ids, axis=0)
    hidden = embedding + position_embeddings
    logits = hidden @ W.T + b
    return logits

if __name__ == "__main__":
    import jax
    _d = setup_inputs()
    print(jax.jit(kernel)(*tuple(_d.values())))

</pallas_src>

<mosaic_0001>
#map = affine_map<(d0, d1) -> (0)>
#map1 = affine_map<(d0, d1) -> (0, 0)>
module attributes {stable_mosaic.version = 14 : i64} {
  func.func @k(%arg0: i32, %arg1: i32, %arg2: memref<819200xf32, #tpu.memory_space<hbm>>, %arg3: memref<512xi32, #tpu.memory_space<hbm>>, %arg4: memref<9x512xf32, #tpu.memory_space<hbm>>, %arg5: memref<16xi32, #tpu.memory_space<vmem>>, %arg6: memref<128xi32, #tpu.memory_space<vmem>>, %arg7: memref<128xf32, #tpu.memory_space<vmem>>, %arg8: memref<16xf32, #tpu.memory_space<vmem>>, %arg9: memref<!tpu.dma_semaphore, #tpu.memory_space<semaphore_mem>>) attributes {dimension_semantics = [#tpu.dimension_semantics<core_parallel>, #tpu.dimension_semantics<subcore_parallel>], iteration_bounds = array<i64: 2, 16>, scalar_prefetch = 0 : i64, scratch_operands = 5 : i64, tpu.core_type = #tpu.core_type<sc_vector_subcore>, window_params = [{transform_indices = #map}, {transform_indices = #map}, {transform_indices = #map1}]} {
    %mul3A = arith.constant 2 : i32
    %mul3A_0 = arith.muli %arg1, %mul3A : i32
    %add3A = arith.addi %mul3A_0, %arg0 : i32
    %mul3A_1 = arith.constant 16 : i32
    %mul3A_2 = arith.muli %add3A, %mul3A_1 : i32
    "tpu.region"() ({
      %run_scoped3A_56 = tpu.sem_alloc : memref<!tpu.dma_semaphore, #tpu.memory_space<semaphore_mem>>
      %dma_start3A_57 = tpu.memref_slice %arg3[%mul3A_2] : memref<512xi32, #tpu.memory_space<hbm>> -> memref<16xi32, #tpu.memory_space<hbm>>
      %dma_start3A_58 = tpu.memref_slice %arg3[%mul3A_2] : memref<512xi32, #tpu.memory_space<hbm>> -> memref<16xi32, #tpu.memory_space<hbm>>
      tpu.enqueue_dma source(%dma_start3A_58 : memref<16xi32, #tpu.memory_space<hbm>>) target(%arg5 : memref<16xi32, #tpu.memory_space<vmem>>) target_semaphore(%run_scoped3A_56 : memref<!tpu.dma_semaphore, #tpu.memory_space<semaphore_mem>>)
      %dma_wait3A_59 = tpu.memref_slice %arg3[%mul3A_2] : memref<512xi32, #tpu.memory_space<hbm>> -> memref<16xi32, #tpu.memory_space<hbm>>
      %dma_wait3A_60 = tpu.memref_slice %arg3[%mul3A_2] : memref<512xi32, #tpu.memory_space<hbm>> -> memref<16xi32, #tpu.memory_space<hbm>>
      tpu.wait_dma2 semaphore(%run_scoped3A_56 : memref<!tpu.dma_semaphore, #tpu.memory_space<semaphore_mem>>) src(%dma_wait3A_60 : memref<16xi32, #tpu.memory_space<hbm>>) dst(%arg5 : memref<16xi32, #tpu.memory_space<vmem>>)
      tpu.yield
    }) : () -> ()
    %get3A = arith.constant 0 : index
    %get3A_3 = tpu.vector_load %arg5[%get3A] {strides = array<i32>} : memref<16xi32, #tpu.memory_space<vmem>>, vector<16xi32>,
    %add3A_4 = arith.constant 0 : i32
    %add3A_5 = vector.broadcast %add3A_4 : i32 to vector<16xi32>
    %add3A_6 = arith.addi %get3A_3, %add3A_5 : vector<16xi32>
    %swap3A = arith.constant 0 : index
    %swap3A_7 = tpu.vector_load %arg6[%swap3A] {strides = array<i32>} : memref<128xi32, #tpu.memory_space<vmem>>, vector<16xi32>,
    tpu.vector_store %arg6[%swap3A], %add3A_6 {strides = array<i32>} : memref<128xi32, #tpu.memory_space<vmem>>, vector<16xi32>,
    %add3A_8 = arith.constant 102400 : i32
    %add3A_9 = vector.broadcast %add3A_8 : i32 to vector<16xi32>
    %add3A_10 = arith.addi %get3A_3, %add3A_9 : vector<16xi32>
    %swap3A_11 = arith.constant 16 : index
    %swap3A_12 = tpu.vector_load %arg6[%swap3A_11] {strides = array<i32>} : memref<128xi32, #tpu.memory_space<vmem>>, vector<16xi32>,
    tpu.vector_store %arg6[%swap3A_11], %add3A_10 {strides = array<i32>} : memref<128xi32, #tpu.memory_space<vmem>>, vector<16xi32>,
    %add3A_13 = arith.constant 204800 : i32
    %add3A_14 = vector.broadcast %add3A_13 : i32 to vector<16xi32>
    %add3A_15 = arith.addi %get3A_3, %add3A_14 : vector<16xi32>
    %swap3A_16 = arith.constant 32 : index
    %swap3A_17 = tpu.vector_load %arg6[%swap3A_16] {strides = array<i32>} : memref<128xi32, #tpu.memory_space<vmem>>, vector<16xi32>,
    tpu.vector_store %arg6[%swap3A_16], %add3A_15 {strides = array<i32>} : memref<128xi32, #tpu.memory_space<vmem>>, vector<16xi32>,
    %add3A_18 = arith.constant 307200 : i32
    %add3A_19 = vector.broadcast %add3A_18 : i32 to vector<16xi32>
    %add3A_20 = arith.addi %get3A_3, %add3A_19 : vector<16xi32>
    %swap3A_21 = arith.constant 48 : index
    %swap3A_22 = tpu.vector_load %arg6[%swap3A_21] {strides = array<i32>} : memref<128xi32, #tpu.memory_space<vmem>>, vector<16xi32>,
    tpu.vector_store %arg6[%swap3A_21], %add3A_20 {strides = array<i32>} : memref<128xi32, #tpu.memory_space<vmem>>, vector<16xi32>,
    %add3A_23 = arith.constant 409600 : i32
    %add3A_24 = vector.broadcast %add3A_23 : i32 to vector<16xi32>
    %add3A_25 = arith.addi %get3A_3, %add3A_24 : vector<16xi32>
    %swap3A_26 = arith.constant 64 : index
    %swap3A_27 = tpu.vector_load %arg6[%swap3A_26] {strides = array<i32>} : memref<128xi32, #tpu.memory_space<vmem>>, vector<16xi32>,
    tpu.vector_store %arg6[%swap3A_26], %add3A_25 {strides = array<i32>} : memref<128xi32, #tpu.memory_space<vmem>>, vector<16xi32>,
    %add3A_28 = arith.constant 512000 : i32
    %add3A_29 = vector.broadcast %add3A_28 : i32 to vector<16xi32>
    %add3A_30 = arith.addi %get3A_3, %add3A_29 : vector<16xi32>
    %swap3A_31 = arith.constant 80 : index
    %swap3A_32 = tpu.vector_load %arg6[%swap3A_31] {strides = array<i32>} : memref<128xi32, #tpu.memory_space<vmem>>, vector<16xi32>,
    tpu.vector_store %arg6[%swap3A_31], %add3A_30 {strides = array<i32>} : memref<128xi32, #tpu.memory_space<vmem>>, vector<16xi32>,
    %add3A_33 = arith.constant 614400 : i32
    %add3A_34 = vector.broadcast %add3A_33 : i32 to vector<16xi32>
    %add3A_35 = arith.addi %get3A_3, %add3A_34 : vector<16xi32>
    %swap3A_36 = arith.constant 96 : index
    %swap3A_37 = tpu.vector_load %arg6[%swap3A_36] {strides = array<i32>} : memref<128xi32, #tpu.memory_space<vmem>>, vector<16xi32>,
    tpu.vector_store %arg6[%swap3A_36], %add3A_35 {strides = array<i32>} : memref<128xi32, #tpu.memory_space<vmem>>, vector<16xi32>,
    %add3A_38 = arith.constant 716800 : i32
    %add3A_39 = vector.broadcast %add3A_38 : i32 to vector<16xi32>
    %add3A_40 = arith.addi %get3A_3, %add3A_39 : vector<16xi32>
    %swap3A_41 = arith.constant 112 : index
    %swap3A_42 = tpu.vector_load %arg6[%swap3A_41] {strides = array<i32>} : memref<128xi32, #tpu.memory_space<vmem>>, vector<16xi32>,
    tpu.vector_store %arg6[%swap3A_41], %add3A_40 {strides = array<i32>} : memref<128xi32, #tpu.memory_space<vmem>>, vector<16xi32>,
    %dma_start3A = arith.constant 0 : i32
    %dma_start3A_43 = tpu.memref_slice %arg2[%dma_start3A] : memref<819200xf32, #tpu.memory_space<hbm>> -> memref<819200xf32, #tpu.memory_space<hbm>>
    tpu.enqueue_indirect_dma source(%dma_start3A_43 : memref<819200xf32, #tpu.memory_space<hbm>>) target(%arg7 : memref<128xf32, #tpu.memory_space<vmem>>) offsets(%arg6 : memref<128xi32, #tpu.memory_space<vmem>>) semaphore(%arg9 : memref<!tpu.dma_semaphore, #tpu.memory_space<semaphore_mem>>)
    %dma_wait3A = arith.constant 0 : i32
    %dma_wait3A_44 = tpu.memref_slice %arg2[%dma_wait3A] : memref<819200xf32, #tpu.memory_space<hbm>> -> memref<819200xf32, #tpu.memory_space<hbm>>
    tpu.wait_indirect_dma semaphore(%arg9 : memref<!tpu.dma_semaphore, #tpu.memory_space<semaphore_mem>>) src(%dma_wait3A_44 : memref<819200xf32, #tpu.memory_space<hbm>>) dst(%arg7 : memref<128xf32, #tpu.memory_space<vmem>>)
    %broadcast_in_dim3A = arith.constant 1.000000e+00 : f32
    %broadcast_in_dim3A_45 = vector.broadcast %broadcast_in_dim3A : f32 to vector<16xf32>
    %swap3A_46 = arith.constant 0 : index
    %swap3A_47 = tpu.vector_load %arg8[%swap3A_46] {strides = array<i32>} : memref<16xf32, #tpu.memory_space<vmem>>, vector<16xf32>,
    tpu.vector_store %arg8[%swap3A_46], %broadcast_in_dim3A_45 {strides = array<i32>} : memref<16xf32, #tpu.memory_space<vmem>>, vector<16xf32>,
    %run_scoped3A = arith.constant 0 : i32
    "tpu.region"() ({
      %run_scoped3A_56 = tpu.sem_alloc : memref<!tpu.dma_semaphore, #tpu.memory_space<semaphore_mem>>
      %dma_start3A_57 = arith.constant 0 : i32
      %dma_start3A_58 = tpu.memref_slice %arg7[%dma_start3A_57] : memref<128xf32, #tpu.memory_space<vmem>> -> memref<16xf32, #tpu.memory_space<vmem>>
      %dma_start3A_59 = tpu.memref_slice %arg4[%run_scoped3A, %mul3A_2] : memref<9x512xf32, #tpu.memory_space<hbm>> -> memref<1x16xf32, #tpu.memory_space<hbm>>
      %dma_start3A_60 = tpu.memref_squeeze %dma_start3A_59 : memref<1x16xf32, #tpu.memory_space<hbm>> -> memref<16xf32, #tpu.memory_space<hbm>>
      %dma_start3A_61 = tpu.memref_slice %arg4[%run_scoped3A, %mul3A_2] : memref<9x512xf32, #tpu.memory_space<hbm>> -> memref<1x16xf32, #tpu.memory_space<hbm>>
      %dma_start3A_62 = tpu.memref_squeeze %dma_start3A_61 : memref<1x16xf32, #tpu.memory_space<hbm>> -> memref<16xf32, #tpu.memory_space<hbm>>
      %dma_start3A_63 = arith.constant 0 : i32
      %dma_start3A_64 = tpu.memref_slice %arg7[%dma_start3A_63] : memref<128xf32, #tpu.memory_space<vmem>> -> memref<16xf32, #tpu.memory_space<vmem>>
      tpu.enqueue_dma source(%dma_start3A_64 : memref<16xf32, #tpu.memory_space<vmem>>) target(%dma_start3A_62 : memref<16xf32, #tpu.memory_space<hbm>>) target_semaphore(%run_scoped3A_56 : memref<!tpu.dma_semaphore, #tpu.memory_space<semaphore_mem>>)
      %dma_wait3A_65 = arith.constant 0 : i32
      %dma_wait3A_66 = tpu.memref_slice %arg7[%dma_wait3A_65] : memref<128xf32, #tpu.memory_space<vmem>> -> memref<16xf32, #tpu.memory_space<vmem>>
      %dma_wait3A_67 = tpu.memref_slice %arg4[%run_scoped3A, %mul3A_2] : memref<9x512xf32, #tpu.memory_space<hbm>> -> memref<1x16xf32, #tpu.memory_space<hbm>>
      %dma_wait3A_68 = tpu.memref_squeeze %dma_wait3A_67 : memref<1x16xf32, #tpu.memory_space<hbm>> -> memref<16xf32, #tpu.memory_space<hbm>>
      %dma_wait3A_69 = tpu.memref_slice %arg4[%run_scoped3A, %mul3A_2] : memref<9x512xf32, #tpu.memory_space<hbm>> -> memref<1x16xf32, #tpu.memory_space<hbm>>
      %dma_wait3A_70 = tpu.memref_squeeze %dma_wait3A_69 : memref<1x16xf32, #tpu.memory_space<hbm>> -> memref<16xf32, #tpu.memory_space<hbm>>
      %dma_wait3A_71 = arith.constant 0 : i32
      %dma_wait3A_72 = tpu.memref_slice %arg7[%dma_wait3A_71] : memref<128xf32, #tpu.memory_space<vmem>> -> memref<16xf32, #tpu.memory_space<vmem>>
      tpu.wait_dma2 semaphore(%run_scoped3A_56 : memref<!tpu.dma_semaphore, #tpu.memory_space<semaphore_mem>>) src(%dma_wait3A_72 : memref<16xf32, #tpu.memory_space<vmem>>) dst(%dma_wait3A_70 : memref<16xf32, #tpu.memory_space<hbm>>)
      tpu.yield
    }) : () -> ()
    %run_scoped3A_48 = arith.constant 1 : i32
    "tpu.region"() ({
      %run_scoped3A_56 = tpu.sem_alloc : memref<!tpu.dma_semaphore, #tpu.memory_space<semaphore_mem>>
      %dma_start3A_57 = arith.constant 16 : i32
      %dma_start3A_58 = tpu.memref_slice %arg7[%dma_start3A_57] : memref<128xf32, #tpu.memory_space<vmem>> -> memref<16xf32, #tpu.memory_space<vmem>>
      %dma_start3A_59 = tpu.memref_slice %arg4[%run_scoped3A_48, %mul3A_2] : memref<9x512xf32, #tpu.memory_space<hbm>> -> memref<1x16xf32, #tpu.memory_space<hbm>>
      %dma_start3A_60 = tpu.memref_squeeze %dma_start3A_59 : memref<1x16xf32, #tpu.memory_space<hbm>> -> memref<16xf32, #tpu.memory_space<hbm>>
      %dma_start3A_61 = tpu.memref_slice %arg4[%run_scoped3A_48, %mul3A_2] : memref<9x512xf32, #tpu.memory_space<hbm>> -> memref<1x16xf32, #tpu.memory_space<hbm>>
      %dma_start3A_62 = tpu.memref_squeeze %dma_start3A_61 : memref<1x16xf32, #tpu.memory_space<hbm>> -> memref<16xf32, #tpu.memory_space<hbm>>
      %dma_start3A_63 = arith.constant 16 : i32
      %dma_start3A_64 = tpu.memref_slice %arg7[%dma_start3A_63] : memref<128xf32, #tpu.memory_space<vmem>> -> memref<16xf32, #tpu.memory_space<vmem>>
      tpu.enqueue_dma source(%dma_start3A_64 : memref<16xf32, #tpu.memory_space<vmem>>) target(%dma_start3A_62 : memref<16xf32, #tpu.memory_space<hbm>>) target_semaphore(%run_scoped3A_56 : memref<!tpu.dma_semaphore, #tpu.memory_space<semaphore_mem>>)
      %dma_wait3A_65 = arith.constant 16 : i32
      %dma_wait3A_66 = tpu.memref_slice %arg7[%dma_wait3A_65] : memref<128xf32, #tpu.memory_space<vmem>> -> memref<16xf32, #tpu.memory_space<vmem>>
      %dma_wait3A_67 = tpu.memref_slice %arg4[%run_scoped3A_48, %mul3A_2] : memref<9x512xf32, #tpu.memory_space<hbm>> -> memref<1x16xf32, #tpu.memory_space<hbm>>
      %dma_wait3A_68 = tpu.memref_squeeze %dma_wait3A_67 : memref<1x16xf32, #tpu.memory_space<hbm>> -> memref<16xf32, #tpu.memory_space<hbm>>
      %dma_wait3A_69 = tpu.memref_slice %arg4[%run_scoped3A_48, %mul3A_2] : memref<9x512xf32, #tpu.memory_space<hbm>> -> memref<1x16xf32, #tpu.memory_space<hbm>>
      %dma_wait3A_70 = tpu.memref_squeeze %dma_wait3A_69 : memref<1x16xf32, #tpu.memory_space<hbm>> -> memref<16xf32, #tpu.memory_space<hbm>>
      %dma_wait3A_71 = arith.constant 16 : i32
      %dma_wait3A_72 = tpu.memref_slice %arg7[%dma_wait3A_71] : memref<128xf32, #tpu.memory_space<vmem>> -> memref<16xf32, #tpu.memory_space<vmem>>
      tpu.wait_dma2 semaphore(%run_scoped3A_56 : memref<!tpu.dma_semaphore, #tpu.memory_space<semaphore_mem>>) src(%dma_wait3A_72 : memref<16xf32, #tpu.memory_space<vmem>>) dst(%dma_wait3A_70 : memref<16xf32, #tpu.memory_space<hbm>>)
      tpu.yield
    }) : () -> ()
    %run_scoped3A_49 = arith.constant 2 : i32
    "tpu.region"() ({
      %run_scoped3A_56 = tpu.sem_alloc : memref<!tpu.dma_semaphore, #tpu.memory_space<semaphore_mem>>
      %dma_start3A_57 = arith.constant 32 : i32
      %dma_start3A_58 = tpu.memref_slice %arg7[%dma_start3A_57] : memref<128xf32, #tpu.memory_space<vmem>> -> memref<16xf32, #tpu.memory_space<vmem>>
      %dma_start3A_59 = tpu.memref_slice %arg4[%run_scoped3A_49, %mul3A_2] : memref<9x512xf32, #tpu.memory_space<hbm>> -> memref<1x16xf32, #tpu.memory_space<hbm>>
      %dma_start3A_60 = tpu.memref_squeeze %dma_start3A_59 : memref<1x16xf32, #tpu.memory_space<hbm>> -> memref<16xf32, #tpu.memory_space<hbm>>
      %dma_start3A_61 = tpu.memref_slice %arg4[%run_scoped3A_49, %mul3A_2] : memref<9x512xf32, #tpu.memory_space<hbm>> -> memref<1x16xf32, #tpu.memory_space<hbm>>
      %dma_start3A_62 = tpu.memref_squeeze %dma_start3A_61 : memref<1x16xf32, #tpu.memory_space<hbm>> -> memref<16xf32, #tpu.memory_space<hbm>>
      %dma_start3A_63 = arith.constant 32 : i32
      %dma_start3A_64 = tpu.memref_slice %arg7[%dma_start3A_63] : memref<128xf32, #tpu.memory_space<vmem>> -> memref<16xf32, #tpu.memory_space<vmem>>
      tpu.enqueue_dma source(%dma_start3A_64 : memref<16xf32, #tpu.memory_space<vmem>>) target(%dma_start3A_62 : memref<16xf32, #tpu.memory_space<hbm>>) target_semaphore(%run_scoped3A_56 : memref<!tpu.dma_semaphore, #tpu.memory_space<semaphore_mem>>)
      %dma_wait3A_65 = arith.constant 32 : i32
      %dma_wait3A_66 = tpu.memref_slice %arg7[%dma_wait3A_65] : memref<128xf32, #tpu.memory_space<vmem>> -> memref<16xf32, #tpu.memory_space<vmem>>
      %dma_wait3A_67 = tpu.memref_slice %arg4[%run_scoped3A_49, %mul3A_2] : memref<9x512xf32, #tpu.memory_space<hbm>> -> memref<1x16xf32, #tpu.memory_space<hbm>>
      %dma_wait3A_68 = tpu.memref_squeeze %dma_wait3A_67 : memref<1x16xf32, #tpu.memory_space<hbm>> -> memref<16xf32, #tpu.memory_space<hbm>>
      %dma_wait3A_69 = tpu.memref_slice %arg4[%run_scoped3A_49, %mul3A_2] : memref<9x512xf32, #tpu.memory_space<hbm>> -> memref<1x16xf32, #tpu.memory_space<hbm>>
      %dma_wait3A_70 = tpu.memref_squeeze %dma_wait3A_69 : memref<1x16xf32, #tpu.memory_space<hbm>> -> memref<16xf32, #tpu.memory_space<hbm>>
      %dma_wait3A_71 = arith.constant 32 : i32
      %dma_wait3A_72 = tpu.memref_slice %arg7[%dma_wait3A_71] : memref<128xf32, #tpu.memory_space<vmem>> -> memref<16xf32, #tpu.memory_space<vmem>>
      tpu.wait_dma2 semaphore(%run_scoped3A_56 : memref<!tpu.dma_semaphore, #tpu.memory_space<semaphore_mem>>) src(%dma_wait3A_72 : memref<16xf32, #tpu.memory_space<vmem>>) dst(%dma_wait3A_70 : memref<16xf32, #tpu.memory_space<hbm>>)
      tpu.yield
    }) : () -> ()
    %run_scoped3A_50 = arith.constant 3 : i32
    "tpu.region"() ({
      %run_scoped3A_56 = tpu.sem_alloc : memref<!tpu.dma_semaphore, #tpu.memory_space<semaphore_mem>>
      %dma_start3A_57 = arith.constant 48 : i32
      %dma_start3A_58 = tpu.memref_slice %arg7[%dma_start3A_57] : memref<128xf32, #tpu.memory_space<vmem>> -> memref<16xf32, #tpu.memory_space<vmem>>
      %dma_start3A_59 = tpu.memref_slice %arg4[%run_scoped3A_50, %mul3A_2] : memref<9x512xf32, #tpu.memory_space<hbm>> -> memref<1x16xf32, #tpu.memory_space<hbm>>
      %dma_start3A_60 = tpu.memref_squeeze %dma_start3A_59 : memref<1x16xf32, #tpu.memory_space<hbm>> -> memref<16xf32, #tpu.memory_space<hbm>>
      %dma_start3A_61 = tpu.memref_slice %arg4[%run_scoped3A_50, %mul3A_2] : memref<9x512xf32, #tpu.memory_space<hbm>> -> memref<1x16xf32, #tpu.memory_space<hbm>>
      %dma_start3A_62 = tpu.memref_squeeze %dma_start3A_61 : memref<1x16xf32, #tpu.memory_space<hbm>> -> memref<16xf32, #tpu.memory_space<hbm>>
      %dma_start3A_63 = arith.constant 48 : i32
      %dma_start3A_64 = tpu.memref_slice %arg7[%dma_start3A_63] : memref<128xf32, #tpu.memory_space<vmem>> -> memref<16xf32, #tpu.memory_space<vmem>>
      tpu.enqueue_dma source(%dma_start3A_64 : memref<16xf32, #tpu.memory_space<vmem>>) target(%dma_start3A_62 : memref<16xf32, #tpu.memory_space<hbm>>) target_semaphore(%run_scoped3A_56 : memref<!tpu.dma_semaphore, #tpu.memory_space<semaphore_mem>>)
      %dma_wait3A_65 = arith.constant 48 : i32
      %dma_wait3A_66 = tpu.memref_slice %arg7[%dma_wait3A_65] : memref<128xf32, #tpu.memory_space<vmem>> -> memref<16xf32, #tpu.memory_space<vmem>>
      %dma_wait3A_67 = tpu.memref_slice %arg4[%run_scoped3A_50, %mul3A_2] : memref<9x512xf32, #tpu.memory_space<hbm>> -> memref<1x16xf32, #tpu.memory_space<hbm>>
      %dma_wait3A_68 = tpu.memref_squeeze %dma_wait3A_67 : memref<1x16xf32, #tpu.memory_space<hbm>> -> memref<16xf32, #tpu.memory_space<hbm>>
      %dma_wait3A_69 = tpu.memref_slice %arg4[%run_scoped3A_50, %mul3A_2] : memref<9x512xf32, #tpu.memory_space<hbm>> -> memref<1x16xf32, #tpu.memory_space<hbm>>
      %dma_wait3A_70 = tpu.memref_squeeze %dma_wait3A_69 : memref<1x16xf32, #tpu.memory_space<hbm>> -> memref<16xf32, #tpu.memory_space<hbm>>
      %dma_wait3A_71 = arith.constant 48 : i32
      %dma_wait3A_72 = tpu.memref_slice %arg7[%dma_wait3A_71] : memref<128xf32, #tpu.memory_space<vmem>> -> memref<16xf32, #tpu.memory_space<vmem>>
      tpu.wait_dma2 semaphore(%run_scoped3A_56 : memref<!tpu.dma_semaphore, #tpu.memory_space<semaphore_mem>>) src(%dma_wait3A_72 : memref<16xf32, #tpu.memory_space<vmem>>) dst(%dma_wait3A_70 : memref<16xf32, #tpu.memory_space<hbm>>)
      tpu.yield
    }) : () -> ()
    %run_scoped3A_51 = arith.constant 4 : i32
    "tpu.region"() ({
      %run_scoped3A_56 = tpu.sem_alloc : memref<!tpu.dma_semaphore, #tpu.memory_space<semaphore_mem>>
      %dma_start3A_57 = arith.constant 64 : i32
      %dma_start3A_58 = tpu.memref_slice %arg7[%dma_start3A_57] : memref<128xf32, #tpu.memory_space<vmem>> -> memref<16xf32, #tpu.memory_space<vmem>>
      %dma_start3A_59 = tpu.memref_slice %arg4[%run_scoped3A_51, %mul3A_2] : memref<9x512xf32, #tpu.memory_space<hbm>> -> memref<1x16xf32, #tpu.memory_space<hbm>>
      %dma_start3A_60 = tpu.memref_squeeze %dma_start3A_59 : memref<1x16xf32, #tpu.memory_space<hbm>> -> memref<16xf32, #tpu.memory_space<hbm>>
      %dma_start3A_61 = tpu.memref_slice %arg4[%run_scoped3A_51, %mul3A_2] : memref<9x512xf32, #tpu.memory_space<hbm>> -> memref<1x16xf32, #tpu.memory_space<hbm>>
      %dma_start3A_62 = tpu.memref_squeeze %dma_start3A_61 : memref<1x16xf32, #tpu.memory_space<hbm>> -> memref<16xf32, #tpu.memory_space<hbm>>
      %dma_start3A_63 = arith.constant 64 : i32
      %dma_start3A_64 = tpu.memref_slice %arg7[%dma_start3A_63] : memref<128xf32, #tpu.memory_space<vmem>> -> memref<16xf32, #tpu.memory_space<vmem>>
      tpu.enqueue_dma source(%dma_start3A_64 : memref<16xf32, #tpu.memory_space<vmem>>) target(%dma_start3A_62 : memref<16xf32, #tpu.memory_space<hbm>>) target_semaphore(%run_scoped3A_56 : memref<!tpu.dma_semaphore, #tpu.memory_space<semaphore_mem>>)
      %dma_wait3A_65 = arith.constant 64 : i32
      %dma_wait3A_66 = tpu.memref_slice %arg7[%dma_wait3A_65] : memref<128xf32, #tpu.memory_space<vmem>> -> memref<16xf32, #tpu.memory_space<vmem>>
      %dma_wait3A_67 = tpu.memref_slice %arg4[%run_scoped3A_51, %mul3A_2] : memref<9x512xf32, #tpu.memory_space<hbm>> -> memref<1x16xf32, #tpu.memory_space<hbm>>
      %dma_wait3A_68 = tpu.memref_squeeze %dma_wait3A_67 : memref<1x16xf32, #tpu.memory_space<hbm>> -> memref<16xf32, #tpu.memory_space<hbm>>
      %dma_wait3A_69 = tpu.memref_slice %arg4[%run_scoped3A_51, %mul3A_2] : memref<9x512xf32, #tpu.memory_space<hbm>> -> memref<1x16xf32, #tpu.memory_space<hbm>>
      %dma_wait3A_70 = tpu.memref_squeeze %dma_wait3A_69 : memref<1x16xf32, #tpu.memory_space<hbm>> -> memref<16xf32, #tpu.memory_space<hbm>>
      %dma_wait3A_71 = arith.constant 64 : i32
      %dma_wait3A_72 = tpu.memref_slice %arg7[%dma_wait3A_71] : memref<128xf32, #tpu.memory_space<vmem>> -> memref<16xf32, #tpu.memory_space<vmem>>
      tpu.wait_dma2 semaphore(%run_scoped3A_56 : memref<!tpu.dma_semaphore, #tpu.memory_space<semaphore_mem>>) src(%dma_wait3A_72 : memref<16xf32, #tpu.memory_space<vmem>>) dst(%dma_wait3A_70 : memref<16xf32, #tpu.memory_space<hbm>>)
      tpu.yield
    }) : () -> ()
    %run_scoped3A_52 = arith.constant 5 : i32
    "tpu.region"() ({
      %run_scoped3A_56 = tpu.sem_alloc : memref<!tpu.dma_semaphore, #tpu.memory_space<semaphore_mem>>
      %dma_start3A_57 = arith.constant 80 : i32
      %dma_start3A_58 = tpu.memref_slice %arg7[%dma_start3A_57] : memref<128xf32, #tpu.memory_space<vmem>> -> memref<16xf32, #tpu.memory_space<vmem>>
      %dma_start3A_59 = tpu.memref_slice %arg4[%run_scoped3A_52, %mul3A_2] : memref<9x512xf32, #tpu.memory_space<hbm>> -> memref<1x16xf32, #tpu.memory_space<hbm>>
      %dma_start3A_60 = tpu.memref_squeeze %dma_start3A_59 : memref<1x16xf32, #tpu.memory_space<hbm>> -> memref<16xf32, #tpu.memory_space<hbm>>
      %dma_start3A_61 = tpu.memref_slice %arg4[%run_scoped3A_52, %mul3A_2] : memref<9x512xf32, #tpu.memory_space<hbm>> -> memref<1x16xf32, #tpu.memory_space<hbm>>
      %dma_start3A_62 = tpu.memref_squeeze %dma_start3A_61 : memref<1x16xf32, #tpu.memory_space<hbm>> -> memref<16xf32, #tpu.memory_space<hbm>>
      %dma_start3A_63 = arith.constant 80 : i32
      %dma_start3A_64 = tpu.memref_slice %arg7[%dma_start3A_63] : memref<128xf32, #tpu.memory_space<vmem>> -> memref<16xf32, #tpu.memory_space<vmem>>
      tpu.enqueue_dma source(%dma_start3A_64 : memref<16xf32, #tpu.memory_space<vmem>>) target(%dma_start3A_62 : memref<16xf32, #tpu.memory_space<hbm>>) target_semaphore(%run_scoped3A_56 : memref<!tpu.dma_semaphore, #tpu.memory_space<semaphore_mem>>)
      %dma_wait3A_65 = arith.constant 80 : i32
      %dma_wait3A_66 = tpu.memref_slice %arg7[%dma_wait3A_65] : memref<128xf32, #tpu.memory_space<vmem>> -> memref<16xf32, #tpu.memory_space<vmem>>
      %dma_wait3A_67 = tpu.memref_slice %arg4[%run_scoped3A_52, %mul3A_2] : memref<9x512xf32, #tpu.memory_space<hbm>> -> memref<1x16xf32, #tpu.memory_space<hbm>>
      %dma_wait3A_68 = tpu.memref_squeeze %dma_wait3A_67 : memref<1x16xf32, #tpu.memory_space<hbm>> -> memref<16xf32, #tpu.memory_space<hbm>>
      %dma_wait3A_69 = tpu.memref_slice %arg4[%run_scoped3A_52, %mul3A_2] : memref<9x512xf32, #tpu.memory_space<hbm>> -> memref<1x16xf32, #tpu.memory_space<hbm>>
      %dma_wait3A_70 = tpu.memref_squeeze %dma_wait3A_69 : memref<1x16xf32, #tpu.memory_space<hbm>> -> memref<16xf32, #tpu.memory_space<hbm>>
      %dma_wait3A_71 = arith.constant 80 : i32
      %dma_wait3A_72 = tpu.memref_slice %arg7[%dma_wait3A_71] : memref<128xf32, #tpu.memory_space<vmem>> -> memref<16xf32, #tpu.memory_space<vmem>>
      tpu.wait_dma2 semaphore(%run_scoped3A_56 : memref<!tpu.dma_semaphore, #tpu.memory_space<semaphore_mem>>) src(%dma_wait3A_72 : memref<16xf32, #tpu.memory_space<vmem>>) dst(%dma_wait3A_70 : memref<16xf32, #tpu.memory_space<hbm>>)
      tpu.yield
    }) : () -> ()
    %run_scoped3A_53 = arith.constant 6 : i32
    "tpu.region"() ({
      %run_scoped3A_56 = tpu.sem_alloc : memref<!tpu.dma_semaphore, #tpu.memory_space<semaphore_mem>>
      %dma_start3A_57 = arith.constant 96 : i32
      %dma_start3A_58 = tpu.memref_slice %arg7[%dma_start3A_57] : memref<128xf32, #tpu.memory_space<vmem>> -> memref<16xf32, #tpu.memory_space<vmem>>
      %dma_start3A_59 = tpu.memref_slice %arg4[%run_scoped3A_53, %mul3A_2] : memref<9x512xf32, #tpu.memory_space<hbm>> -> memref<1x16xf32, #tpu.memory_space<hbm>>
      %dma_start3A_60 = tpu.memref_squeeze %dma_start3A_59 : memref<1x16xf32, #tpu.memory_space<hbm>> -> memref<16xf32, #tpu.memory_space<hbm>>
      %dma_start3A_61 = tpu.memref_slice %arg4[%run_scoped3A_53, %mul3A_2] : memref<9x512xf32, #tpu.memory_space<hbm>> -> memref<1x16xf32, #tpu.memory_space<hbm>>
      %dma_start3A_62 = tpu.memref_squeeze %dma_start3A_61 : memref<1x16xf32, #tpu.memory_space<hbm>> -> memref<16xf32, #tpu.memory_space<hbm>>
      %dma_start3A_63 = arith.constant 96 : i32
      %dma_start3A_64 = tpu.memref_slice %arg7[%dma_start3A_63] : memref<128xf32, #tpu.memory_space<vmem>> -> memref<16xf32, #tpu.memory_space<vmem>>
      tpu.enqueue_dma source(%dma_start3A_64 : memref<16xf32, #tpu.memory_space<vmem>>) target(%dma_start3A_62 : memref<16xf32, #tpu.memory_space<hbm>>) target_semaphore(%run_scoped3A_56 : memref<!tpu.dma_semaphore, #tpu.memory_space<semaphore_mem>>)
      %dma_wait3A_65 = arith.constant 96 : i32
      %dma_wait3A_66 = tpu.memref_slice %arg7[%dma_wait3A_65] : memref<128xf32, #tpu.memory_space<vmem>> -> memref<16xf32, #tpu.memory_space<vmem>>
      %dma_wait3A_67 = tpu.memref_slice %arg4[%run_scoped3A_53, %mul3A_2] : memref<9x512xf32, #tpu.memory_space<hbm>> -> memref<1x16xf32, #tpu.memory_space<hbm>>
      %dma_wait3A_68 = tpu.memref_squeeze %dma_wait3A_67 : memref<1x16xf32, #tpu.memory_space<hbm>> -> memref<16xf32, #tpu.memory_space<hbm>>
      %dma_wait3A_69 = tpu.memref_slice %arg4[%run_scoped3A_53, %mul3A_2] : memref<9x512xf32, #tpu.memory_space<hbm>> -> memref<1x16xf32, #tpu.memory_space<hbm>>
      %dma_wait3A_70 = tpu.memref_squeeze %dma_wait3A_69 : memref<1x16xf32, #tpu.memory_space<hbm>> -> memref<16xf32, #tpu.memory_space<hbm>>
      %dma_wait3A_71 = arith.constant 96 : i32
      %dma_wait3A_72 = tpu.memref_slice %arg7[%dma_wait3A_71] : memref<128xf32, #tpu.memory_space<vmem>> -> memref<16xf32, #tpu.memory_space<vmem>>
      tpu.wait_dma2 semaphore(%run_scoped3A_56 : memref<!tpu.dma_semaphore, #tpu.memory_space<semaphore_mem>>) src(%dma_wait3A_72 : memref<16xf32, #tpu.memory_space<vmem>>) dst(%dma_wait3A_70 : memref<16xf32, #tpu.memory_space<hbm>>)
      tpu.yield
    }) : () -> ()
    %run_scoped3A_54 = arith.constant 7 : i32
    "tpu.region"() ({
      %run_scoped3A_56 = tpu.sem_alloc : memref<!tpu.dma_semaphore, #tpu.memory_space<semaphore_mem>>
      %dma_start3A_57 = arith.constant 112 : i32
      %dma_start3A_58 = tpu.memref_slice %arg7[%dma_start3A_57] : memref<128xf32, #tpu.memory_space<vmem>> -> memref<16xf32, #tpu.memory_space<vmem>>
      %dma_start3A_59 = tpu.memref_slice %arg4[%run_scoped3A_54, %mul3A_2] : memref<9x512xf32, #tpu.memory_space<hbm>> -> memref<1x16xf32, #tpu.memory_space<hbm>>
      %dma_start3A_60 = tpu.memref_squeeze %dma_start3A_59 : memref<1x16xf32, #tpu.memory_space<hbm>> -> memref<16xf32, #tpu.memory_space<hbm>>
      %dma_start3A_61 = tpu.memref_slice %arg4[%run_scoped3A_54, %mul3A_2] : memref<9x512xf32, #tpu.memory_space<hbm>> -> memref<1x16xf32, #tpu.memory_space<hbm>>
      %dma_start3A_62 = tpu.memref_squeeze %dma_start3A_61 : memref<1x16xf32, #tpu.memory_space<hbm>> -> memref<16xf32, #tpu.memory_space<hbm>>
      %dma_start3A_63 = arith.constant 112 : i32
      %dma_start3A_64 = tpu.memref_slice %arg7[%dma_start3A_63] : memref<128xf32, #tpu.memory_space<vmem>> -> memref<16xf32, #tpu.memory_space<vmem>>
      tpu.enqueue_dma source(%dma_start3A_64 : memref<16xf32, #tpu.memory_space<vmem>>) target(%dma_start3A_62 : memref<16xf32, #tpu.memory_space<hbm>>) target_semaphore(%run_scoped3A_56 : memref<!tpu.dma_semaphore, #tpu.memory_space<semaphore_mem>>)
      %dma_wait3A_65 = arith.constant 112 : i32
      %dma_wait3A_66 = tpu.memref_slice %arg7[%dma_wait3A_65] : memref<128xf32, #tpu.memory_space<vmem>> -> memref<16xf32, #tpu.memory_space<vmem>>
      %dma_wait3A_67 = tpu.memref_slice %arg4[%run_scoped3A_54, %mul3A_2] : memref<9x512xf32, #tpu.memory_space<hbm>> -> memref<1x16xf32, #tpu.memory_space<hbm>>
      %dma_wait3A_68 = tpu.memref_squeeze %dma_wait3A_67 : memref<1x16xf32, #tpu.memory_space<hbm>> -> memref<16xf32, #tpu.memory_space<hbm>>
      %dma_wait3A_69 = tpu.memref_slice %arg4[%run_scoped3A_54, %mul3A_2] : memref<9x512xf32, #tpu.memory_space<hbm>> -> memref<1x16xf32, #tpu.memory_space<hbm>>
      %dma_wait3A_70 = tpu.memref_squeeze %dma_wait3A_69 : memref<1x16xf32, #tpu.memory_space<hbm>> -> memref<16xf32, #tpu.memory_space<hbm>>
      %dma_wait3A_71 = arith.constant 112 : i32
      %dma_wait3A_72 = tpu.memref_slice %arg7[%dma_wait3A_71] : memref<128xf32, #tpu.memory_space<vmem>> -> memref<16xf32, #tpu.memory_space<vmem>>
      tpu.wait_dma2 semaphore(%run_scoped3A_56 : memref<!tpu.dma_semaphore, #tpu.memory_space<semaphore_mem>>) src(%dma_wait3A_72 : memref<16xf32, #tpu.memory_space<vmem>>) dst(%dma_wait3A_70 : memref<16xf32, #tpu.memory_space<hbm>>)
      tpu.yield
    }) : () -> ()
    %run_scoped3A_55 = arith.constant 8 : i32
    "tpu.region"() ({
      %run_scoped3A_56 = tpu.sem_alloc : memref<!tpu.dma_semaphore, #tpu.memory_space<semaphore_mem>>
      %dma_start3A_57 = tpu.memref_slice %arg4[%run_scoped3A_55, %mul3A_2] : memref<9x512xf32, #tpu.memory_space<hbm>> -> memref<1x16xf32, #tpu.memory_space<hbm>>
      %dma_start3A_58 = tpu.memref_squeeze %dma_start3A_57 : memref<1x16xf32, #tpu.memory_space<hbm>> -> memref<16xf32, #tpu.memory_space<hbm>>
      %dma_start3A_59 = tpu.memref_slice %arg4[%run_scoped3A_55, %mul3A_2] : memref<9x512xf32, #tpu.memory_space<hbm>> -> memref<1x16xf32, #tpu.memory_space<hbm>>
      %dma_start3A_60 = tpu.memref_squeeze %dma_start3A_59 : memref<1x16xf32, #tpu.memory_space<hbm>> -> memref<16xf32, #tpu.memory_space<hbm>>
      tpu.enqueue_dma source(%arg8 : memref<16xf32, #tpu.memory_space<vmem>>) target(%dma_start3A_60 : memref<16xf32, #tpu.memory_space<hbm>>) target_semaphore(%run_scoped3A_56 : memref<!tpu.dma_semaphore, #tpu.memory_space<semaphore_mem>>)
      %dma_wait3A_61 = tpu.memref_slice %arg4[%run_scoped3A_55, %mul3A_2] : memref<9x512xf32, #tpu.memory_space<hbm>> -> memref<1x16xf32, #tpu.memory_space<hbm>>
      %dma_wait3A_62 = tpu.memref_squeeze %dma_wait3A_61 : memref<1x16xf32, #tpu.memory_space<hbm>> -> memref<16xf32, #tpu.memory_space<hbm>>
      %dma_wait3A_63 = tpu.memref_slice %arg4[%run_scoped3A_55, %mul3A_2] : memref<9x512xf32, #tpu.memory_space<hbm>> -> memref<1x16xf32, #tpu.memory_space<hbm>>
      %dma_wait3A_64 = tpu.memref_squeeze %dma_wait3A_63 : memref<1x16xf32, #tpu.memory_space<hbm>> -> memref<16xf32, #tpu.memory_space<hbm>>
      tpu.wait_dma2 semaphore(%run_scoped3A_56 : memref<!tpu.dma_semaphore, #tpu.memory_space<semaphore_mem>>) src(%arg8 : memref<16xf32, #tpu.memory_space<vmem>>) dst(%dma_wait3A_64 : memref<16xf32, #tpu.memory_space<hbm>>)
      tpu.yield
    }) : () -> ()
    return
  }
}

module attributes {stable_mosaic.version = 14 : i64} {
  func.func @body(%arg0: memref<8x100000xf32, #tpu.memory_space<vmem>>, %arg1: memref<819200xf32, #tpu.memory_space<vmem>>) attributes {dimension_semantics = [], scalar_prefetch = 0 : i64, scratch_operands = 0 : i64, tpu.core_type = #tpu.core_type<tc>} {
    %get3A = arith.constant 0 : index
    %get3A_0 = arith.constant 0 : index
    %get3A_1 = vector.load %arg0[%get3A, %get3A_0] : memref<8x100000xf32, #tpu.memory_space<vmem>>, vector<1x100000xf32>
    %get3A_2 = vector.shape_cast %get3A_1 : vector<1x100000xf32> to vector<100000xf32>
    %swap3A = arith.constant 0 : index
    %swap3A_3 = vector.load %arg1[%swap3A] : memref<819200xf32, #tpu.memory_space<vmem>>, vector<100000xf32>
    tpu.vector_store %arg1[%swap3A], %get3A_2 {strides = array<i32>} : memref<819200xf32, #tpu.memory_space<vmem>>, vector<100000xf32>,
    %get3A_4 = arith.constant 1 : index
    %get3A_5 = arith.constant 0 : index
    %get3A_6 = vector.load %arg0[%get3A_4, %get3A_5] : memref<8x100000xf32, #tpu.memory_space<vmem>>, vector<1x100000xf32>
    %get3A_7 = vector.shape_cast %get3A_6 : vector<1x100000xf32> to vector<100000xf32>
    %swap3A_8 = arith.constant 102400 : index
    %swap3A_9 = vector.load %arg1[%swap3A_8] : memref<819200xf32, #tpu.memory_space<vmem>>, vector<100000xf32>
    tpu.vector_store %arg1[%swap3A_8], %get3A_7 {strides = array<i32>} : memref<819200xf32, #tpu.memory_space<vmem>>, vector<100000xf32>,
    %get3A_10 = arith.constant 2 : index
    %get3A_11 = arith.constant 0 : index
    %get3A_12 = vector.load %arg0[%get3A_10, %get3A_11] : memref<8x100000xf32, #tpu.memory_space<vmem>>, vector<1x100000xf32>
    %get3A_13 = vector.shape_cast %get3A_12 : vector<1x100000xf32> to vector<100000xf32>
    %swap3A_14 = arith.constant 204800 : index
    %swap3A_15 = vector.load %arg1[%swap3A_14] : memref<819200xf32, #tpu.memory_space<vmem>>, vector<100000xf32>
    tpu.vector_store %arg1[%swap3A_14], %get3A_13 {strides = array<i32>} : memref<819200xf32, #tpu.memory_space<vmem>>, vector<100000xf32>,
    %get3A_16 = arith.constant 3 : index
    %get3A_17 = arith.constant 0 : index
    %get3A_18 = vector.load %arg0[%get3A_16, %get3A_17] : memref<8x100000xf32, #tpu.memory_space<vmem>>, vector<1x100000xf32>
    %get3A_19 = vector.shape_cast %get3A_18 : vector<1x100000xf32> to vector<100000xf32>
    %swap3A_20 = arith.constant 307200 : index
    %swap3A_21 = vector.load %arg1[%swap3A_20] : memref<819200xf32, #tpu.memory_space<vmem>>, vector<100000xf32>
    tpu.vector_store %arg1[%swap3A_20], %get3A_19 {strides = array<i32>} : memref<819200xf32, #tpu.memory_space<vmem>>, vector<100000xf32>,
    %get3A_22 = arith.constant 4 : index
    %get3A_23 = arith.constant 0 : index
    %get3A_24 = vector.load %arg0[%get3A_22, %get3A_23] : memref<8x100000xf32, #tpu.memory_space<vmem>>, vector<1x100000xf32>
    %get3A_25 = vector.shape_cast %get3A_24 : vector<1x100000xf32> to vector<100000xf32>
    %swap3A_26 = arith.constant 409600 : index
    %swap3A_27 = vector.load %arg1[%swap3A_26] : memref<819200xf32, #tpu.memory_space<vmem>>, vector<100000xf32>
    tpu.vector_store %arg1[%swap3A_26], %get3A_25 {strides = array<i32>} : memref<819200xf32, #tpu.memory_space<vmem>>, vector<100000xf32>,
    %get3A_28 = arith.constant 5 : index
    %get3A_29 = arith.constant 0 : index
    %get3A_30 = vector.load %arg0[%get3A_28, %get3A_29] : memref<8x100000xf32, #tpu.memory_space<vmem>>, vector<1x100000xf32>
    %get3A_31 = vector.shape_cast %get3A_30 : vector<1x100000xf32> to vector<100000xf32>
    %swap3A_32 = arith.constant 512000 : index
    %swap3A_33 = vector.load %arg1[%swap3A_32] : memref<819200xf32, #tpu.memory_space<vmem>>, vector<100000xf32>
    tpu.vector_store %arg1[%swap3A_32], %get3A_31 {strides = array<i32>} : memref<819200xf32, #tpu.memory_space<vmem>>, vector<100000xf32>,
    %get3A_34 = arith.constant 6 : index
    %get3A_35 = arith.constant 0 : index
    %get3A_36 = vector.load %arg0[%get3A_34, %get3A_35] : memref<8x100000xf32, #tpu.memory_space<vmem>>, vector<1x100000xf32>
    %get3A_37 = vector.shape_cast %get3A_36 : vector<1x100000xf32> to vector<100000xf32>
    %swap3A_38 = arith.constant 614400 : index
    %swap3A_39 = vector.load %arg1[%swap3A_38] : memref<819200xf32, #tpu.memory_space<vmem>>, vector<100000xf32>
    tpu.vector_store %arg1[%swap3A_38], %get3A_37 {strides = array<i32>} : memref<819200xf32, #tpu.memory_space<vmem>>, vector<100000xf32>,
    %get3A_40 = arith.constant 7 : index
    %get3A_41 = arith.constant 0 : index
    %get3A_42 = vector.load %arg0[%get3A_40, %get3A_41] : memref<8x100000xf32, #tpu.memory_space<vmem>>, vector<1x100000xf32>
    %get3A_43 = vector.shape_cast %get3A_42 : vector<1x100000xf32> to vector<100000xf32>
    %swap3A_44 = arith.constant 716800 : index
    %swap3A_45 = vector.load %arg1[%swap3A_44] : memref<819200xf32, #tpu.memory_space<vmem>>, vector<100000xf32>
    tpu.vector_store %arg1[%swap3A_44], %get3A_43 {strides = array<i32>} : memref<819200xf32, #tpu.memory_space<vmem>>, vector<100000xf32>,
    return
  }
}

module attributes {stable_mosaic.version = 14 : i64} {
  func.func @body(%arg0: i32, %arg1: memref<8x4096xf32, #tpu.memory_space<vmem>>, %arg2: memref<4096xf32, #tpu.memory_space<vmem>>, %arg3: memref<9x512xf32, #tpu.memory_space<vmem>>, %arg4: memref<8x512xf32, #tpu.memory_space<vmem>>, %arg5: memref<4096x512xf32, #tpu.memory_space<vmem>>) attributes {dimension_semantics = [#tpu.dimension_semantics<arbitrary>], iteration_bounds = array<i64: 25>, scalar_prefetch = 0 : i64, scratch_operands = 0 : i64, tpu.core_type = #tpu.core_type<tc>, window_params = [{transform_indices = @transform_0, window_bounds = array<i64: 8, 4096>}, {transform_indices = @transform_1, window_bounds = array<i64: 4096>}, {pipeline_mode = #tpu.pipeline_mode<synchronous>, transform_indices = @transform_2, window_bounds = array<i64: 9, 512>}, {pipeline_mode = #tpu.pipeline_mode<synchronous>, transform_indices = @transform_3, window_bounds = array<i64: 8, 512>}, {transform_indices = @transform_4, window_bounds = array<i64: 4096, 512>}]} {
    %get3A = arith.constant 0 : index
    %get3A_0 = arith.constant 0 : index
    %get3A_1 = vector.load %arg1[%get3A, %get3A_0] : memref<8x4096xf32, #tpu.memory_space<vmem>>, vector<8x4096xf32>
    %get3A_2 = arith.constant 0 : index
    %get3A_3 = vector.load %arg2[%get3A_2] : memref<4096xf32, #tpu.memory_space<vmem>>, vector<4096xf32>
    %broadcast_in_dim3A = vector.shape_cast %get3A_3 : vector<4096xf32> to vector<1x4096xf32>
    %concatenate3A = tpu.concatenate %get3A_1, %broadcast_in_dim3A in 0 : vector<8x4096xf32>, vector<1x4096xf32> -> vector<9x4096xf32>
    %get3A_4 = arith.constant 0 : index
    %get3A_5 = arith.constant 0 : index
    %get3A_6 = vector.load %arg4[%get3A_4, %get3A_5] : memref<8x512xf32, #tpu.memory_space<vmem>>, vector<8x512xf32>
    %broadcast_in_dim3A_7 = arith.constant 0.000000e+00 : f32
    %broadcast_in_dim3A_8 = vector.broadcast %broadcast_in_dim3A_7 : f32 to vector<1x512xf32>
    %concatenate3A_9 = tpu.concatenate %get3A_6, %broadcast_in_dim3A_8 in 0 : vector<8x512xf32>, vector<1x512xf32> -> vector<9x512xf32>
    %get3A_10 = arith.constant 0 : index
    %get3A_11 = arith.constant 0 : index
    %get3A_12 = vector.load %arg3[%get3A_10, %get3A_11] : memref<9x512xf32, #tpu.memory_space<vmem>>, vector<9x512xf32>
    %add3A = arith.addf %get3A_12, %concatenate3A_9 : vector<9x512xf32>
    %dot_general3A = arith.constant dense<0.000000e+00> : vector<4096x512xf32>
    %dot_general3A_13 = tpu.matmul %concatenate3A, %add3A, %dot_general3A {dimension_numbers = #tpu.dot_dimension_numbers<[0], [0], [1], [1], [0, 1, 1, 1], [], []>, transpose_lhs_hint = false} : vector<9x4096xf32>, vector<9x512xf32>, vector<4096x512xf32> -> vector<4096x512xf32>
    %swap3A = arith.constant 0 : index
    %swap3A_14 = arith.constant 0 : index
    %swap3A_15 = vector.load %arg5[%swap3A, %swap3A_14] : memref<4096x512xf32, #tpu.memory_space<vmem>>, vector<4096x512xf32>
    tpu.vector_store %arg5[%swap3A, %swap3A_14], %dot_general3A_13 {strides = array<i32>} : memref<4096x512xf32, #tpu.memory_space<vmem>>, vector<4096x512xf32>,
    return
  }
  func.func @transform_0(%arg0: i32) -> (i32, i32) {
    %c0_i32 = arith.constant 0 : i32
    %c0_i32_0 = arith.constant 0 : i32
    return %c0_i32, %arg0 : i32, i32
  }
  func.func @transform_1(%arg0: i32) -> i32 {
    %c0_i32 = arith.constant 0 : i32
    return %arg0 : i32
  }
  func.func @transform_2(%arg0: i32) -> (i32, i32) {
    %c0_i32 = arith.constant 0 : i32
    %c0_i32_0 = arith.constant 0 : i32
    %c0_i32_1 = arith.constant 0 : i32
    return %c0_i32, %c0_i32_0 : i32, i32
  }
  func.func @transform_3(%arg0: i32) -> (i32, i32) {
    %c0_i32 = arith.constant 0 : i32
    %c0_i32_0 = arith.constant 0 : i32
    %c0_i32_1 = arith.constant 0 : i32
    return %c0_i32, %c0_i32_0 : i32, i32
  }
  func.func @transform_4(%arg0: i32) -> (i32, i32) {
    %c0_i32 = arith.constant 0 : i32
    %c0_i32_0 = arith.constant 0 : i32
    return %arg0, %c0_i32 : i32, i32
  }
}

</mosaic_0001>

<sc_bundles>
// kernel: kernel.5.cloned.1.call-start
scs
__scs_entry_jumppad:
0x0: {  	(pc) =	sbr.rel $0x88, $3  }
0x1: {  	(tag) =	ssettag $0x0;
	lr =	simm.s32 $0x1  }
0x2: {  	[smem:$0x3F9C] =	sst lr;
	_ =	strace $0xD0000000  }
0x3: {  	_ = 	snop  }
0x4: {  	_ = 	snop  }
0x5: {  	_ = 	snop  }
0x6: {  	_ = 	snop  }
0x7: {  	_ = 	snop  }
__scs_overlays_trampoline_lowered:
0x8: {  	[smem:$0x3FAB] =	sst s0  }
0x9: {  	[smem:$0x3FAC] =	sst s1  }
0xa: {  	[smem:$0x3FAD] =	sst s2  }
0xb: {  	[smem:$0x3FAE] =	sst s3  }
0xc: {  	[smem:$0x3FAF] =	sst s4  }
0xd: {  	[smem:$0x3FB0] =	sst s5  }
0xe: {  	[smem:$0x3FB1] =	sst s6  }
0xf: {  	[smem:$0x3FB2] =	sst s7  }
0x10: {  	[smem:$0x3FB3] =	sst s8  }
0x11: {  	[smem:$0x3FB4] =	sst s9;
	s0 =	simm.s32 @!p0 $0x0  }
0x12: {  	s1 =	sld [smem:$0x3F9A];
	s0 =	simm.s32 @p0 $0x1  }
0x13: {  	[smem:$0x3FB5] =	sst s0;
	s0 =	simm.s32 @!p1 $0x0  }
0x14: {  	s2 =	sld [smem:$0x3F99];
	s0 =	simm.s32 @p1 $0x1  }
0x15: {  	[smem:$0x3FB6] =	sst s0;
	s0 =	simm.s32 @!p2 $0x0  }
0x16: {  	s3 =	sld [smem:$0x3FDB];
	s0 =	simm.s32 @p2 $0x1  }
0x17: {  	s4 =	simm.s32 $0x1BF5;
	[smem:$0x3FB8] =	sst s0  }
0x18: {  	s0 =	sld [smem:$0x3F9B];
	_ =	swait.ge [sflag:s4], $0x0  }
0x19: {  	s7 =	sld [smem:$0x3F9C]  }
0x1a: {  	s8 =	sadd.s32 $0xFFFFE003, lr  }
0x1b: {  	s9 =	sadd.s32 $0xFFFFFEF7, lr;
	s5 =	simm.s32 $0xFFFFFFFF;
	p2 =	slt.u32 s8, $0xFFFFF086  }
0x1c: {  	p1 =	slt.u32 s9, $0xF7A;
	s5 =	simm.s32 @!p2 $0x0  }
0x1d: {  	s5 =	simm.s32 @p1 $0x1;
	p0 =	seq.s32 s7, s2  }
0x1e: {  	s7 =	smul.u32 @!p0 $0xF7A, s2;
	p2 =	seq.s32 @!p0 s5, $0x0  }
0x1f: {  	s9 =	smul.u32 $0xF7A, s1;
	s8 =	simm.s32 @!p0 $0x1BF5;
	p2 =	por !p2, p0  }
0x20: {  	[sflag:s8] =	ssyncset.s32 @!p0 $0xFFFFF086;
	s6 =	sadd.s32 @!p0 s3, s7;
	s7 =	simm.s32 @!p0 $0x108  }
0x21: {  	s3 =	sadd.s32 s3, s9;
	s6 =	sadd.s32 @!p0 $0x88, s6;
	s7 =	simm.s32 @p2 $0x1082  }
0x22: {  	[simem:s7], [sflag:s8] =	dma.local @!p0 [hbm:s6], $0xF7A  }
0x23: {  	s9 =	sor.u32 $0xD0000000, s2;
	s6 =	simm.s32 $0x108;
	_ =	swait.ge @!p0 [sflag:s8], $0x0  }
0x24: {  	s3 =	sadd.s32 $0x88, s3;
	s6 =	simm.s32 @!p1 $0x1082;
	[sflag:s4] =	ssyncset.s32 $0xFFFFF086  }
0x25: {  	[simem:s6], [sflag:s4] =	dma.local [hbm:s3], $0xF7A  }
0x26: {  	[smem:$0x3F9C] =	sst s1;
	(tag) =	ssettag s2;
	_ =	strace s9  }
0x27: {  	s1 =	sld [smem:$0x3FAC]  }
0x28: {  	s2 =	sld [smem:$0x3FAD]  }
0x29: {  	s4 =	sld [smem:$0x3FAF]  }
0x2a: {  	p0 =	seq.s32 s5, $0x0;
	s5 =	sld [smem:$0x3FB0]  }
0x2b: {  	s6 =	sld [smem:$0x3FB1]  }
0x2c: {  	s7 =	sld [smem:$0x3FB2]  }
0x2d: {  	s3 =	simm.s32 $0x108;
	s8 =	sld [smem:$0x3FB3]  }
0x2e: {  	s3 =	simm.s32 @!p0 $0x1082;
	s9 =	sld [smem:$0x3FB4]  }
0x2f: {  	lr =	sadd.s32 s0, s3;
	s0 =	sld [smem:$0x3FAB]  }
0x30: {  	s3 =	sld [smem:$0x3FAE]  }
0x31: {  	[smem:$0x3FB7] =	sst s10  }
0x32: {  	s10 =	sld [smem:$0x3FB5];
	_ =	sdelay $0x3  }
0x33: {  	p0 =	seq.s32 s10, $0x1;
	s10 =	sld [smem:$0x3FB7];
	_ =	sdelay $0x3  }
0x34: {  	[smem:$0x3FB7] =	sst s10  }
0x35: {  	s10 =	sld [smem:$0x3FB6];
	_ =	sdelay $0x3  }
0x36: {  	p1 =	seq.s32 s10, $0x1;
	s10 =	sld [smem:$0x3FB7];
	_ =	sdelay $0x3  }
0x37: {  	[smem:$0x3FB7] =	sst s10  }
0x38: {  	s10 =	sld [smem:$0x3FB8]  }
0x39: {  	_ = 	snop;
	(pc) =	sbr.ind lr, $3  }
0x3a: {  	_ = 	snop  }
0x3b: {  	_ = 	snop  }
0x3c: {  	p2 =	seq.s32 s10, $0x1;
	s10 =	sld [smem:$0x3FB7]  }
0x3d: {  	_ =	shalt  }
0x3e: {  	_ =	shalt  }
0x3f: {  	_ =	shalt  }
0x40: {  	_ =	shalt  }
0x41: {  	_ =	shalt  }
0x42: {  	_ =	shalt  }
0x43: {  	_ =	shalt  }
0x44: {  	_ =	shalt  }
0x45: {  	_ =	shalt  }
0x46: {  	_ =	shalt  }
0x47: {  	_ =	shalt  }
0x48: {  	_ =	shalt  }
0x49: {  	_ =	shalt  }
0x4a: {  	_ =	shalt  }
0x4b: {  	_ =	shalt  }
0x4c: {  	_ =	shalt  }
0x4d: {  	_ =	shalt  }
0x4e: {  	_ =	shalt  }
0x4f: {  	_ =	shalt  }
0x50: {  	_ =	shalt  }
0x51: {  	_ =	shalt  }
0x52: {  	_ =	shalt  }
0x53: {  	_ =	shalt  }
0x54: {  	_ =	shalt  }
0x55: {  	_ =	shalt  }
0x56: {  	_ =	shalt  }
0x57: {  	_ =	shalt  }
0x58: {  	_ =	shalt  }
0x59: {  	_ =	shalt  }
0x5a: {  	_ =	shalt  }
0x5b: {  	_ =	shalt  }
0x5c: {  	_ =	shalt  }
0x5d: {  	_ =	shalt  }
0x5e: {  	_ =	shalt  }
0x5f: {  	_ =	shalt  }
0x60: {  	_ =	shalt  }
0x61: {  	_ =	shalt  }
0x62: {  	_ =	shalt  }
0x63: {  	_ =	shalt  }
0x64: {  	_ =	shalt  }
0x65: {  	_ =	shalt  }
0x66: {  	_ =	shalt  }
0x67: {  	_ =	shalt  }
0x68: {  	_ =	shalt  }
0x69: {  	_ =	shalt  }
0x6a: {  	_ =	shalt  }
0x6b: {  	_ =	shalt  }
0x6c: {  	_ =	shalt  }
0x6d: {  	_ =	shalt  }
0x6e: {  	_ =	shalt  }
0x6f: {  	_ =	shalt  }
0x70: {  	_ =	shalt  }
0x71: {  	_ =	shalt  }
0x72: {  	_ =	shalt  }
0x73: {  	_ =	shalt  }
0x74: {  	_ =	shalt  }
0x75: {  	_ =	shalt  }
0x76: {  	_ =	shalt  }
0x77: {  	_ =	shalt  }
0x78: {  	_ =	shalt  }
0x79: {  	_ =	shalt  }
0x7a: {  	_ =	shalt  }
0x7b: {  	_ =	shalt  }
0x7c: {  	_ =	shalt  }
0x7d: {  	_ =	shalt  }
0x7e: {  	_ =	shalt  }
0x7f: {  	_ =	shalt  }
0x80: {  	_ =	shalt  }
0x81: {  	_ =	shalt  }
0x82: {  	_ =	shalt  }
0x83: {  	_ =	shalt  }
0x84: {  	_ =	shalt  }
0x85: {  	_ =	shalt  }
0x86: {  	_ =	shalt  }
0x87: {  	_ =	shalt  }
.Lfunc_end0:
.L_simem_size_0:
called_computation_lowered:
.L_overlay_start_0:
0x88: {  	s2 =	sld [smem:$0x3FD9]  }
0x89: {  	s3 =	sld [smem:$0x3FFE];
	_ =	sdelay $0x1  }
0x8a: {  	s1 =	srdreg.scid  }
0x8b: {  	s0 =	sand.u32 $0x1, s1  }
0x8c: {  	s17 =	sshll.u32 s0, $0xA;
	s2 =	sadd.s32 s3, s2  }
0x8d: {  	s2 =	sadd.s32 s2, s17  }
0x8e: {  	[smem:$0x3FC3] =	sst s2  }
0x8f: {  	_ = 	snop  }
0x90: {  	s2 =	sld [smem:$0x3FC9]  }
0x91: {  	s18 =	sld [smem:$0x3FD0];
	(tm) =	ssettm $0x1  }
0x92: {  	s4 =	sld [smem:$0x3FFB];
	_ =	sdelay $0x3  }
0x93: {  	_ =	strace s4  }
0x94: {  	s4 =	sld [smem:$0x3FFC];
	_ =	sdelay $0x3  }
0x95: {  	_ =	strace s4  }
0x96: {  	s4 =	sld [smem:$0x3FFD];
	_ =	sdelay $0x3  }
0x97: {  	_ =	strace s4  }
0x98: {  	_ =	strace $0x8FFFFFFF  }
0x99: {  	s19 =	sld [smem:$0x3FDB];
	_ =	sdelay $0x1  }
0x9a: {  	s5 =	simm.s32 $_scs_section_size  }
0x9b: {  	s6 =	simm.s32 $_size__tile_overlayer_lowered;
	s7 =	simm.s32 $_tile_overlayer_lowered  }
0x9c: {  	s22 =	simm.s32 $0x1BFF;
	s21 =	sshll.u32 s7, $0x1;
	s4 =	sadd.s32 s5, s19  }
0x9d: {  	s8 =	simm.s32 $0x0;
	s20 =	sshll.u32 s6, $0x1;
	s6 =	sadd.s32 s21, s4  }
0x9e: {  	[timem:s8], [sflag:s22] =	dma.local [hbm:s6], s20  }
0x9f: {  	_ =	swait.ge [sflag:s22], s20  }
0xa0: {  	s5 =	ssub.s32 $0x0, s20;
	[sflag:s22] =	ssyncset.done $0x0  }
0xa1: {  	[sflag:s22] =	ssyncadd.s32 s5;
	_ =	sdelay $0x1  }
0xa2: {  	s23 =	simm.s32 $0x1B8B  }
0xa3: {  	_ =	swait.ge [sflag:s23], $0x1  }
0xa4: {  	[sflag:s23] =	ssyncset.done $0x0  }
0xa5: {  	s25 =	simm.s32 $0x1B8E;
	s24 =	sld [smem:$0x3FFE];
	[sflag:s23] =	ssyncadd.s32 $0xFFFFFFFF  }
0xa6: {  	s26 =	simm.s32 $execute0_lowered;
	[smem:$0x3FD2] =	sst s25  }
0xa7: {  	s6 =	sshll.u32 s26, $0x1;
	_ =	strace $0x80000046;
	[dreg:$0x1] =	wrdreg $0xFFFFFFFF  }
0xa8: {  	s28 =	simm.s32 $_size_execute0_lowered;
	s4 =	sadd.s32 s4, s6;
	[dreg:$0x0] =	wrdreg $0x0  }
0xa9: {  	s6 =	sshll.u32 s28, $0x1;
	[dreg:$0x2] =	wrdreg s4  }
0xaa: {  	[dreg:$0x3] =	wrdreg s6  }
0xab: {  	[dreg:$0x4] =	wrdreg $0xC0  }
0xac: {  	_ =	task [dreg:s8], $0x5FFFF  }
0xad: {  	[dreg:$0x1] =	wrdreg $0xFFFFFFFF  }
0xae: {  	[dreg:$0x0] =	wrdreg $0x60  }
0xaf: {  	[dreg:$0x2] =	wrdreg s18  }
0xb0: {  	[dreg:$0x3] =	wrdreg s2  }
0xb1: {  	[dreg:$0x4] =	wrdreg s24  }
0xb2: {  	[dreg:$0x5] =	wrdreg $0x9  }
0xb3: {  	_ =	task.clear_ibuf [dreg:s8], $0x6FFFF;
	_ =	strace $0x90000046  }
0xb4: {  	s29 =	simm.s32 $0x9;
	_ =	strace $0x80000048  }
0xb5: {  	_ =	swait.ge [sflag:s29], $0x1  }
0xb6: {  	[sflag:s29] =	ssyncadd.s32 $0xFFFFFFFF  }
0xb7: {  	_ =	strace $0x90000048  }
0xb8: {  	_ =	sfence  }
0xb9: {  	s30 =	sld [smem:$0x0];
	_ =	sdelay $0x2  }
0xba: {  	s31 =	sshll.u32 s1, $0xD;
	s1 =	sshrl.u32 s1, $0x2  }
0xbb: {  	s3 =	sand.u32 $0x4000, s31;
	s1 =	sadd.s32 s1, s30  }
0xbc: {  	s0 =	sor.u32 s3, s0;
	s1 =	sshll.u32 s1, $0x11  }
0xbd: {  	s0 =	sor.u32 s1, s0  }
0xbe: {  	s0 =	sadd.s32 $0x8F2B, s0  }
0xbf: {  	[sflag:s0] =	ssyncadd.remote.s32 $0x1  }
0xc0: {  	_ =	sfence.sel $0xFFFF  }
0xc1: {  	[dreg:$0x0] =	wrdreg $0xFFFFFFFF;
	(pc) =	sbr.abs _section_cstart, $3  }
0xc2: {  	[dreg:$0x1] =	wrdreg $0xFFFFFFFF  }
0xc3: {  	_ =	task.clear_ibuf [dreg:s8], $0x2FFFF;
	_ =	strace $0x9FFFFFFF  }
0xc4: {  	(tm) =	ssettm $0x7FFFFFFF  }
0xc5: {  	_ =	shalt  }
tec
execute0_lowered:
.L_overlay_start_1:
0x0: {  	(tag) =	ssettag $0x1  }
0x1: {  	s2 =	rddreg [dreg:$0x0]  }
0x2: {  	s4 =	rddreg [dreg:$0x1]  }
0x3: {  	s10 =	rddreg [dreg:$0x2];
	s3 =	srdreg.scid  }
0x4: {  	s0 =	rddreg [dreg:$0x3];
	s1 =	stileid.u32;
	s21 =	sand.u32 $0x1, s3  }
0x5: {  	s3 =	simm.s32 $0x0;
	s5 =	sshll.u32 s1, $0x2;
	s6 =	sshll.u32 s21, $0x1  }
0x6: {  	[smem:$0x7FF] =	sst s3;
	s11 =	sor.u32 s6, s5  }
0x7: {  	_ =	strace $0x80000047;
	s5 =	sadd.s32 s4, s11;
	s4 =	simm.s32 $0x2  }
0x8: {  	[tilespmem:s3], [sflag:$0x2] =	stream.linear.gather [hbm4b:s5+s3], $0x10, $0x38;
	[tilespmem:$0x120] =	vst v63  }
0x9: {  	_ =	swait.ge [sflag:s4], $0x10  }
0xa: {  	[sflag:s4] =	ssyncset.done $0x0  }
0xb: {  	[sflag:s4] =	ssyncadd.s32 $0xFFFFFFF0  }
0xc: {  	v0 =	vld [tilespmem:$0x0];
	_ =	sdelay $0x4  }
0xd: {  	[tilespmem:$0x10] =	vst v0;
	v1 =	vadd.s32 $0xAF000, v0  }
0xe: {  	v2 =	vadd.s32 $0x19000, v0;
	[tilespmem:$0x80] =	vst v1  }
0xf: {  	v1 =	vadd.s32 $0x32000, v0;
	[tilespmem:$0x20] =	vst v2  }
0x10: {  	v2 =	vadd.s32 $0x96000, v0;
	[tilespmem:$0x30] =	vst v1  }
0x11: {  	v1 =	vadd.s32 $0x7D000, v0;
	[tilespmem:$0x70] =	vst v2  }
0x12: {  	v2 =	vadd.s32 $0x4B000, v0;
	[tilespmem:$0x60] =	vst v1  }
0x13: {  	s7 =	simm.s32 $0x10;
	v0 =	vadd.s32 $0x64000, v0;
	[tilespmem:$0x40] =	vst v2  }
0x14: {  	s8 =	simm.s32 $0x90;
	s9 =	simm.s32 $0x1;
	s6 =	simm.s32 $0x80;
	[tilespmem:$0x50] =	vst v0  }
0x15: {  	[tilespmem:s8], [sflag:$0x1] =	stream.indirect.gather [hbm4b:s2+s6], $0x1, s7, s6, $0xb8;
	[tilespmem:$0x120] =	vst v63  }
0x16: {  	_ =	swait.ge [sflag:s9], $0x80  }
0x17: {  	[sflag:s9] =	ssyncset.done $0x0  }
0x18: {  	s24 =	sadd.s32 s11, s10;
	v0 =	vimm.f32 $1.000000000e+00;
	[sflag:s9] =	ssyncadd.s32 $0xFFFFFF80  }
0x19: {  	s10 =	sadd.s32 $0xE00, s24;
	[tilespmem:$0x110] =	vst v0  }
0x1a: {  	[hbm4b:s10+s3] =	stream.linear.scatter [tilespmem:s8], [sflag:$0x2], $0x10, $0x38;
	[tilespmem:$0x120] =	vst v63  }
0x1b: {  	_ =	swait.ge [sflag:s4], $0x10  }
0x1c: {  	[sflag:s4] =	ssyncset.done $0x0  }
0x1d: {  	s12 =	simm.s32 $0xA0;
	s11 =	sadd.s32 $0xE40, s24;
	[sflag:s4] =	ssyncadd.s32 $0xFFFFFFF0  }
0x1e: {  	[hbm4b:s11+s3] =	stream.linear.scatter [tilespmem:s12], [sflag:$0x2], $0x10, $0x38;
	[tilespmem:$0x120] =	vst v63  }
0x1f: {  	_ =	swait.ge [sflag:s4], $0x10  }
0x20: {  	[sflag:s4] =	ssyncset.done $0x0  }
0x21: {  	s14 =	simm.s32 $0xB0;
	s13 =	sadd.s32 $0xE80, s24;
	[sflag:s4] =	ssyncadd.s32 $0xFFFFFFF0  }
0x22: {  	[hbm4b:s13+s3] =	stream.linear.scatter [tilespmem:s14], [sflag:$0x2], $0x10, $0x38;
	[tilespmem:$0x120] =	vst v63  }
0x23: {  	_ =	swait.ge [sflag:s4], $0x10  }
0x24: {  	[sflag:s4] =	ssyncset.done $0x0  }
0x25: {  	s16 =	simm.s32 $0xC0;
	s15 =	sadd.s32 $0xEC0, s24;
	[sflag:s4] =	ssyncadd.s32 $0xFFFFFFF0  }
0x26: {  	[hbm4b:s15+s3] =	stream.linear.scatter [tilespmem:s16], [sflag:$0x2], $0x10, $0x38;
	[tilespmem:$0x120] =	vst v63  }
0x27: {  	_ =	swait.ge [sflag:s4], $0x10  }
0x28: {  	[sflag:s4] =	ssyncset.done $0x0  }
0x29: {  	s18 =	simm.s32 $0xD0;
	s17 =	sadd.s32 $0xF00, s24;
	[sflag:s4] =	ssyncadd.s32 $0xFFFFFFF0  }
0x2a: {  	[hbm4b:s17+s3] =	stream.linear.scatter [tilespmem:s18], [sflag:$0x2], $0x10, $0x38;
	[tilespmem:$0x120] =	vst v63  }
0x2b: {  	_ =	swait.ge [sflag:s4], $0x10  }
0x2c: {  	s20 =	simm.s32 $0xE0;
	s23 =	ssub.s32 $0x2, s21;
	[sflag:s4] =	ssyncset.done $0x0  }
0x2d: {  	s25 =	sshrl.u32 s23, $0x1;
	s19 =	sadd.s32 $0xF40, s24;
	[sflag:s4] =	ssyncadd.s32 $0xFFFFFFF0  }
0x2e: {  	[hbm4b:s19+s3] =	stream.linear.scatter [tilespmem:s20], [sflag:$0x2], $0x10, $0x38;
	[tilespmem:$0x120] =	vst v63  }
0x2f: {  	s25 =	ssub.s32 s23, s25;
	_ =	swait.ge [sflag:s4], $0x10  }
0x30: {  	s22 =	simm.s32 $0xF0;
	s26 =	smax.u32 s25, $0x1;
	[sflag:s4] =	ssyncset.done $0x0  }
0x31: {  	s21 =	sadd.s32 $0xF80, s24;
	p0 =	sne.s32 s26, $0x1;
	[sflag:s4] =	ssyncadd.s32 $0xFFFFFFF0  }
0x32: {  	[hbm4b:s21+s3] =	stream.linear.scatter [tilespmem:s22], [sflag:$0x2], $0x10, $0x38;
	[tilespmem:$0x120] =	vst v63  }
.Ltmp0:
0x33: {  	_ = 	snop;
	(pc) =	sbr.rel @!p0 .LBB2_2-.Ltmp0, $4  }
0x34: {  	s23 =	sadd.s32 $0xFC0, s24;
	_ =	swait.ge [sflag:s4], $0x10  }
0x35: {  	s25 =	simm.s32 $0x100;
	s24 =	sadd.s32 $0x1000, s24;
	[sflag:s4] =	ssyncset.done $0x0  }
0x36: {  	s28 =	sadd.s32 $0xFFFFFFFF, s26;
	s26 =	simm.s32 $0x110;
	[sflag:s4] =	ssyncadd.s32 $0xFFFFFFF0  }
0x37: {  	[hbm4b:s23+s3] =	stream.linear.scatter [tilespmem:s25], [sflag:$0x2], $0x10, $0x38;
	[tilespmem:$0x120] =	vst v63  }
.LBB2_1:
0x38: {  	p0 =	sne.s32 s28, $0x1;
	s28 =	sadd.s32 $0xFFFFFFFF, s28;
	_ =	swait.ge [sflag:s4], $0x10  }
0x39: {  	[sflag:s4] =	ssyncset.done $0x0  }
0x3a: {  	[sflag:s4] =	ssyncadd.s32 $0xFFFFFFF0  }
0x3b: {  	[hbm4b:s24+s3] =	stream.linear.scatter [tilespmem:s26], [sflag:$0x2], $0x10, $0x38;
	[tilespmem:$0x120] =	vst v63  }
0x3c: {  	_ =	swait.ge [sflag:s4], $0x10  }
0x3d: {  	[sflag:s4] =	ssyncset.done $0x0  }
0x3e: {  	[sflag:s4] =	ssyncadd.s32 $0xFFFFFFF0  }
0x3f: {  	[tilespmem:s3], [sflag:$0x2] =	stream.linear.gather [hbm4b:s5+s3], $0x10, $0x38;
	[tilespmem:$0x120] =	vst v63  }
0x40: {  	_ =	swait.ge [sflag:s4], $0x10  }
0x41: {  	[sflag:s4] =	ssyncset.done $0x0  }
0x42: {  	[sflag:s4] =	ssyncadd.s32 $0xFFFFFFF0  }
0x43: {  	v1 =	vld [tilespmem:$0x0];
	_ =	sdelay $0x4  }
0x44: {  	[tilespmem:$0x10] =	vst v1;
	v2 =	vadd.s32 $0x19000, v1;
	v3 =	vadd.s32 $0x32000, v1;
	v4 =	vadd.s32 $0xAF000, v1  }
0x45: {  	v5 =	vadd.s32 $0x4B000, v1;
	v6 =	vadd.s32 $0x64000, v1;
	v7 =	vadd.s32 $0x7D000, v1;
	[tilespmem:$0x80] =	vst v4  }
0x46: {  	v1 =	vadd.s32 $0x96000, v1;
	[tilespmem:$0x20] =	vst v2  }
0x47: {  	[tilespmem:$0x30] =	vst v3  }
0x48: {  	[tilespmem:$0x70] =	vst v1  }
0x49: {  	[tilespmem:$0x60] =	vst v7  }
0x4a: {  	[tilespmem:$0x40] =	vst v5  }
0x4b: {  	[tilespmem:$0x50] =	vst v6  }
0x4c: {  	[tilespmem:s8], [sflag:$0x1] =	stream.indirect.gather [hbm4b:s2+s6], $0x1, s7, s6, $0xb8;
	[tilespmem:$0x120] =	vst v63  }
0x4d: {  	_ =	swait.ge [sflag:s9], $0x80  }
0x4e: {  	[sflag:s9] =	ssyncset.done $0x0  }
0x4f: {  	[sflag:s9] =	ssyncadd.s32 $0xFFFFFF80  }
0x50: {  	[tilespmem:$0x110] =	vst v0  }
0x51: {  	[hbm4b:s10+s3] =	stream.linear.scatter [tilespmem:s8], [sflag:$0x2], $0x10, $0x38;
	[tilespmem:$0x120] =	vst v63  }
0x52: {  	_ =	swait.ge [sflag:s4], $0x10  }
0x53: {  	[sflag:s4] =	ssyncset.done $0x0  }
0x54: {  	[sflag:s4] =	ssyncadd.s32 $0xFFFFFFF0  }
0x55: {  	[hbm4b:s11+s3] =	stream.linear.scatter [tilespmem:s12], [sflag:$0x2], $0x10, $0x38;
	[tilespmem:$0x120] =	vst v63  }
0x56: {  	_ =	swait.ge [sflag:s4], $0x10  }
0x57: {  	[sflag:s4] =	ssyncset.done $0x0  }
0x58: {  	[sflag:s4] =	ssyncadd.s32 $0xFFFFFFF0  }
0x59: {  	[hbm4b:s13+s3] =	stream.linear.scatter [tilespmem:s14], [sflag:$0x2], $0x10, $0x38;
	[tilespmem:$0x120] =	vst v63  }
0x5a: {  	_ =	swait.ge [sflag:s4], $0x10  }
0x5b: {  	[sflag:s4] =	ssyncset.done $0x0  }
0x5c: {  	[sflag:s4] =	ssyncadd.s32 $0xFFFFFFF0  }
0x5d: {  	[hbm4b:s15+s3] =	stream.linear.scatter [tilespmem:s16], [sflag:$0x2], $0x10, $0x38;
	[tilespmem:$0x120] =	vst v63  }
0x5e: {  	_ =	swait.ge [sflag:s4], $0x10  }
0x5f: {  	[sflag:s4] =	ssyncset.done $0x0  }
0x60: {  	[sflag:s4] =	ssyncadd.s32 $0xFFFFFFF0  }
0x61: {  	[hbm4b:s17+s3] =	stream.linear.scatter [tilespmem:s18], [sflag:$0x2], $0x10, $0x38;
	[tilespmem:$0x120] =	vst v63  }
0x62: {  	_ =	swait.ge [sflag:s4], $0x10  }
0x63: {  	[sflag:s4] =	ssyncset.done $0x0  }
0x64: {  	[sflag:s4] =	ssyncadd.s32 $0xFFFFFFF0  }
0x65: {  	[hbm4b:s19+s3] =	stream.linear.scatter [tilespmem:s20], [sflag:$0x2], $0x10, $0x38;
	[tilespmem:$0x120] =	vst v63  }
0x66: {  	_ =	swait.ge [sflag:s4], $0x10  }
0x67: {  	[sflag:s4] =	ssyncset.done $0x0  }
0x68: {  	[sflag:s4] =	ssyncadd.s32 $0xFFFFFFF0  }
0x69: {  	[hbm4b:s21+s3] =	stream.linear.scatter [tilespmem:s22], [sflag:$0x2], $0x10, $0x38;
	[tilespmem:$0x120] =	vst v63  }
.Ltmp1:
0x6a: {  	_ = 	snop;
	(pc) =	sbr.rel @p0 .LBB2_1-.Ltmp1, $4  }
0x6b: {  	_ =	swait.ge [sflag:s4], $0x10  }
0x6c: {  	[sflag:s4] =	ssyncset.done $0x0  }
0x6d: {  	[sflag:s4] =	ssyncadd.s32 $0xFFFFFFF0  }
0x6e: {  	[hbm4b:s23+s3] =	stream.linear.scatter [tilespmem:s25], [sflag:$0x2], $0x10, $0x38;
	[tilespmem:$0x120] =	vst v63  }
.LBB2_2:
0x6f: {  	_ =	swait.ge [sflag:s4], $0x10  }
0x70: {  	[sflag:s4] =	ssyncset.done $0x0  }
0x71: {  	[sflag:s4] =	ssyncadd.s32 $0xFFFFFFF0  }
0x72: {  	[hbm4b:s24+s3] =	stream.linear.scatter [tilespmem:s26], [sflag:$0x2], $0x10, $0x38;
	[tilespmem:$0x120] =	vst v63  }
0x73: {  	_ =	swait.ge [sflag:s4], $0x10  }
0x74: {  	[sflag:s4] =	ssyncset.done $0x0  }
0x75: {  	[sflag:s4] =	ssyncadd.s32 $0xFFFFFFF0  }
0x76: {  	_ =	sfence.sel $0x180000  }
0x77: {  	[bflag:$0x0] =	sbarrier.arrive $0xFFFF  }
0x78: {  	p0 =	sne.s32 s1, $0x0;
	_ =	strace $0x90000047  }
0x79: {  	s0 =	sadd.s32 @!p0 $0x100000, s0;
	[bflag:$0x2] =	sbarrier.arrive $0xFFFF  }
0x7a: {  	[sflag:s0] =	ssyncadd.tile.s32 @!p0 $0x1;
	_ =	shalt  }
.Lfunc_end2:
_tile_overlayer_lowered:
.L_overlay_start_2:
0x7b: {  	(tag) =	ssettag $0x2  }
0x7c: {  	s0 =	rddreg [dreg:$0x0];
	s2 =	stileid.u32  }
0x7d: {  	s1 =	rddreg [dreg:$0x1];
	p0 =	sne.s32 s2, $0x0  }
0x7e: {  	s3 =	rddreg [dreg:$0x2];
	[bflag:$0x3] =	sbarrier.arrive $0xFFFF;
	s2 =	simm.s32 @!p0 $0x1C02  }
0x7f: {  	[timem:s3], [sflag:s2] =	dma.local @!p0 [hbm:s0], s1  }
0x80: {  	s0 =	simm.s32 @!p0 $0x2  }
0x81: {  	_ =	swait.ge @!p0 [sflag:s0], s1  }
0x82: {  	s1 =	ssub.s32 @!p0 $0x0, s1;
	[sflag:s0] =	ssyncset.done @!p0 $0x0  }
0x83: {  	[sflag:s0] =	ssyncadd.s32 @!p0 s1  }
0x84: {  	[bflag:$0x3] =	sbarrier.arrive $0xFFFF  }
0x85: {  	_ =	shalt  }

</sc_bundles>
